<compile_context>
chip_gen: v7x
topology: tpu7x:2x2x1
jax: 0.10.2.dev20260603
libtpu: 0.0.44.dev20260713+nightly
codegen_flags: <defaults>
</compile_context>

<pallas_src>
import functools

import jax
import jax.numpy as jnp
from jax import lax
from jax.experimental import pallas as pl
from jax.experimental.pallas import tpu as pltpu
from jax.experimental.pallas import tpu_sc as plsc

D_MODEL = 1024
MAX_SEQ_LEN = 4096
BATCH = 8
ROWS = BATCH * MAX_SEQ_LEN
C = 16
NBUF = 2
NCHUNKS = ROWS // C
NW = 32
CHUNKS_PER_WORKER = NCHUNKS // NW

_mesh = plsc.VectorSubcoreMesh(core_axis_name="c", subcore_axis_name="s")


@functools.partial(
    pl.kernel,
    out_type=jax.ShapeDtypeStruct((ROWS, D_MODEL), jnp.float32),
    mesh=_mesh,
    scratch_types=(
        [pltpu.VMEM((32,), jnp.int32)]
        + [pltpu.VMEM((C,), jnp.int32) for _ in range(NBUF)]
        + [pltpu.VMEM((C, D_MODEL), jnp.float32) for _ in range(NBUF)]
        + [pltpu.VMEM((C, D_MODEL), jnp.float32)]
        + [pltpu.SemaphoreType.DMA for _ in range(2 * NBUF)]
    ),
)
def _pe_lookup(len_hbm, pe_hbm, out_hbm, len_v, *rest):
    idx = rest[:NBUF]
    dbuf = rest[NBUF:2 * NBUF]
    zbuf = rest[2 * NBUF]
    rsem = rest[2 * NBUF + 1:3 * NBUF + 1]
    wsem = rest[3 * NBUF + 1:]

    wid = lax.axis_index("s") * 2 + lax.axis_index("c")

    pltpu.sync_copy(len_hbm, len_v.at[pl.ds(0, BATCH)])

    zeros = jnp.zeros((16,), jnp.int32)
    for h in range(C // 16):
        idx[0][pl.ds(h * 16, 16)] = zeros
    pltpu.async_copy(pe_hbm.at[idx[0]], zbuf, rsem[0]).wait()

    lane = lax.iota(jnp.int32, 16)

    def chunk_params(k):
        r0 = pl.multiple_of((wid + k * NW) * C, C)
        b = r0 >> 12
        p0 = pl.multiple_of(r0 & (MAX_SEQ_LEN - 1), C)
        l = len_v[pl.ds(b, 16)][0]
        nd = jnp.clip(l - p0, 0, C)
        return r0, p0, nd

    def launch_gather(k, s):
        r0, p0, nd = chunk_params(k)

        @pl.when(nd > 0)
        def _():
            for h in range(C // 16):
                j = lane + h * 16
                idx[s][pl.ds(h * 16, 16)] = jnp.where(j < nd, p0 + 1 + j, 0)
            pltpu.async_copy(pe_hbm.at[idx[s]], dbuf[s], rsem[s])

    def launch_store(k, s):
        r0, p0, nd = chunk_params(k)

        @pl.when(nd > 0)
        def _():
            pltpu.make_async_copy(pe_hbm.at[idx[s]], dbuf[s], rsem[s]).wait()
            pltpu.async_copy(dbuf[s], out_hbm.at[pl.ds(r0, C)], wsem[s])

        @pl.when(nd == 0)
        def _():
            pltpu.async_copy(zbuf, out_hbm.at[pl.ds(r0, C)], wsem[s])

    def body(i, carry):
        for s in range(NBUF):
            k = NBUF * i + s

            @pl.when(k >= NBUF)
            def _():
                pltpu.make_async_copy(dbuf[s], out_hbm.at[pl.ds(0, C)],
                                      wsem[s]).wait()

            launch_gather(k, s)

            if s == 0:
                @pl.when(k >= 1)
                def _():
                    launch_store(k - 1, NBUF - 1)
            else:
                launch_store(k - 1, s - 1)
        return carry

    lax.fori_loop(0, CHUNKS_PER_WORKER // NBUF, body, 0)

    launch_store(CHUNKS_PER_WORKER - 1, (CHUNKS_PER_WORKER - 1) % NBUF)
    for s in range(NBUF):
        pltpu.make_async_copy(dbuf[s], out_hbm.at[pl.ds(0, C)], wsem[s]).wait()


def kernel(input_len, pe_table):
    out = _pe_lookup(input_len, pe_table)
    return out.reshape(BATCH, MAX_SEQ_LEN, D_MODEL)

# --- scband reference (transcript-rebuilt; emitter-appended) ---
"""Pipeline reference for scband-positional-encoding-68539088110133 (READ-ONLY COPY).

The authoritative reference and input builder live on the scoring server;
editing this copy changes nothing except your own understanding.
"""

import jax, jax.numpy as jnp
import numpy as np

D_MODEL = 1024
MAX_SEQ_LEN = 4096
BATCH = 8


def _build_pe_table():
    pos = np.arange(MAX_SEQ_LEN, dtype=np.float64)[:, None]
    j = np.arange(D_MODEL, dtype=np.float64)[None, :]
    angle = pos / np.power(10000.0, 2.0 * np.floor(j / 2.0) / D_MODEL)
    pe = angle.copy()
    pe[:, 0::2] = np.sin(angle[:, 0::2])
    pe[:, 1::2] = np.cos(angle[:, 1::2])
    pe = np.concatenate([np.zeros((1, D_MODEL), dtype=np.float64), pe], axis=0)
    return jnp.asarray(pe.astype(np.float32))


def setup_inputs(seed: int = 0) -> dict:
    key = jax.random.key(seed)
    input_len = jax.random.randint(key, (BATCH,), 0, MAX_SEQ_LEN, dtype=jnp.int32)
    pe_table = _build_pe_table()  # [MAX_SEQ_LEN + 1, D_MODEL], row 0 is the pad row
    return {"input_len": input_len, "pe_table": pe_table}


def reference(input_len, pe_table):
    # torch: input_pos[b] = [1..l_b] + [0]*(max_len - l_b); then embedding lookup
    positions = jnp.arange(MAX_SEQ_LEN, dtype=jnp.int32)[None, :]  # [1, max_len]
    input_pos = jnp.where(positions < input_len[:, None], positions + 1, 0)  # [B, max_len]
    return jnp.take(pe_table, input_pos, axis=0)  # [B, max_len, d_model]

if __name__ == "__main__":
    import jax
    _d = setup_inputs()
    print(jax.jit(kernel)(*tuple(_d.values())))

</pallas_src>

<mosaic_0001>
#map = affine_map<(d0, d1) -> (0)>
#map1 = affine_map<(d0, d1) -> (0, 0)>
module attributes {stable_mosaic.version = 14 : i64} {
  func.func @_pe_lookup(%arg0: i32, %arg1: i32, %arg2: memref<8xi32, #tpu.memory_space<hbm>>, %arg3: memref<4097x1024xf32, #tpu.memory_space<hbm>>, %arg4: memref<32768x1024xf32, #tpu.memory_space<hbm>>, %arg5: memref<32xi32, #tpu.memory_space<vmem>>, %arg6: memref<16xi32, #tpu.memory_space<vmem>>, %arg7: memref<16xi32, #tpu.memory_space<vmem>>, %arg8: memref<16x1024xf32, #tpu.memory_space<vmem>>, %arg9: memref<16x1024xf32, #tpu.memory_space<vmem>>, %arg10: memref<16x1024xf32, #tpu.memory_space<vmem>>, %arg11: memref<!tpu.dma_semaphore, #tpu.memory_space<semaphore_mem>>, %arg12: memref<!tpu.dma_semaphore, #tpu.memory_space<semaphore_mem>>, %arg13: memref<!tpu.dma_semaphore, #tpu.memory_space<semaphore_mem>>, %arg14: memref<!tpu.dma_semaphore, #tpu.memory_space<semaphore_mem>>) attributes {dimension_semantics = [#tpu.dimension_semantics<core_parallel>, #tpu.dimension_semantics<subcore_parallel>], iteration_bounds = array<i64: 2, 16>, scalar_prefetch = 0 : i64, scratch_operands = 10 : i64, tpu.core_type = #tpu.core_type<sc_vector_subcore>, window_params = [{transform_indices = #map}, {transform_indices = #map1}, {transform_indices = #map1}]} {
    %mul3A = arith.constant 2 : i32
    %mul3A_0 = arith.muli %arg1, %mul3A : i32
    %add3A = arith.addi %mul3A_0, %arg0 : i32
    "tpu.region"() ({
      %run_scoped3A = tpu.sem_alloc : memref<!tpu.dma_semaphore, #tpu.memory_space<semaphore_mem>>
      %dma_start3A_42 = arith.constant 0 : i32
      %dma_start3A_43 = tpu.memref_slice %arg5[%dma_start3A_42] : memref<32xi32, #tpu.memory_space<vmem>> -> memref<8xi32, #tpu.memory_space<vmem>>
      %dma_start3A_44 = arith.constant 0 : i32
      %dma_start3A_45 = tpu.memref_slice %arg5[%dma_start3A_44] : memref<32xi32, #tpu.memory_space<vmem>> -> memref<8xi32, #tpu.memory_space<vmem>>
      tpu.enqueue_dma source(%arg2 : memref<8xi32, #tpu.memory_space<hbm>>) target(%dma_start3A_45 : memref<8xi32, #tpu.memory_space<vmem>>) target_semaphore(%run_scoped3A : memref<!tpu.dma_semaphore, #tpu.memory_space<semaphore_mem>>)
      %dma_wait3A_46 = arith.constant 0 : i32
      %dma_wait3A_47 = tpu.memref_slice %arg5[%dma_wait3A_46] : memref<32xi32, #tpu.memory_space<vmem>> -> memref<8xi32, #tpu.memory_space<vmem>>
      %dma_wait3A_48 = arith.constant 0 : i32
      %dma_wait3A_49 = tpu.memref_slice %arg5[%dma_wait3A_48] : memref<32xi32, #tpu.memory_space<vmem>> -> memref<8xi32, #tpu.memory_space<vmem>>
      tpu.wait_dma2 semaphore(%run_scoped3A : memref<!tpu.dma_semaphore, #tpu.memory_space<semaphore_mem>>) src(%arg2 : memref<8xi32, #tpu.memory_space<hbm>>) dst(%dma_wait3A_49 : memref<8xi32, #tpu.memory_space<vmem>>)
      tpu.yield
    }) : () -> ()
    %broadcast_in_dim3A = arith.constant 0 : i32
    %broadcast_in_dim3A_1 = vector.broadcast %broadcast_in_dim3A : i32 to vector<16xi32>
    %swap3A = arith.constant 0 : index
    %swap3A_2 = tpu.vector_load %arg6[%swap3A] {strides = array<i32>} : memref<16xi32, #tpu.memory_space<vmem>>, vector<16xi32>,
    %swap3A_3 = vector.shape_cast %swap3A_2 : vector<16xi32> to vector<16xi32>
    %swap3A_4 = vector.shape_cast %broadcast_in_dim3A_1 : vector<16xi32> to vector<16xi32>
    tpu.vector_store %arg6[%swap3A], %swap3A_4 {strides = array<i32>} : memref<16xi32, #tpu.memory_space<vmem>>, vector<16xi32>,
    %dma_start3A = arith.constant 0 : i32
    %dma_start3A_5 = arith.constant 0 : i32
    %dma_start3A_6 = tpu.memref_slice %arg3[%dma_start3A, %dma_start3A_5] : memref<4097x1024xf32, #tpu.memory_space<hbm>> -> memref<4097x1024xf32, #tpu.memory_space<hbm>>
    tpu.enqueue_indirect_dma source(%dma_start3A_6 : memref<4097x1024xf32, #tpu.memory_space<hbm>>) target(%arg10 : memref<16x1024xf32, #tpu.memory_space<vmem>>) offsets(%arg6 : memref<16xi32, #tpu.memory_space<vmem>>) semaphore(%arg11 : memref<!tpu.dma_semaphore, #tpu.memory_space<semaphore_mem>>)
    %dma_wait3A = arith.constant 0 : i32
    %dma_wait3A_7 = arith.constant 0 : i32
    %dma_wait3A_8 = tpu.memref_slice %arg3[%dma_wait3A, %dma_wait3A_7] : memref<4097x1024xf32, #tpu.memory_space<hbm>> -> memref<4097x1024xf32, #tpu.memory_space<hbm>>
    tpu.wait_indirect_dma semaphore(%arg11 : memref<!tpu.dma_semaphore, #tpu.memory_space<semaphore_mem>>) src(%dma_wait3A_8 : memref<4097x1024xf32, #tpu.memory_space<hbm>>) dst(%arg10 : memref<16x1024xf32, #tpu.memory_space<vmem>>)
    %iota3A = tpu.iota {dimensions = array<i32: 0>} : vector<16xi32>
    %scan3A = arith.constant 0 : i32
    %scan3A_9 = arith.constant 0 : i32
    %scan3A_10 = arith.constant 32 : i32
    %scan3A_11 = arith.addi %scan3A_9, %scan3A_10 : i32
    %scan3A_12 = arith.constant 1 : i32
    scf.for %scan3A_42 = %scan3A_9 to %scan3A_11 step %scan3A_12  : i32 {
      %mul3A_43 = arith.constant 2 : i32
      %mul3A_44 = arith.muli %mul3A_43, %scan3A_42 : i32
      %add3A_45 = arith.constant 0 : i32
      %add3A_46 = arith.addi %mul3A_44, %add3A_45 : i32
      %ge3A = arith.constant 2 : i32
      %ge3A_47 = arith.cmpi sge, %add3A_46, %ge3A : i32
      %convert_element_type3A_48 = arith.extui %ge3A_47 : i1 to i32
      %cond3A_49 = arith.constant 0 : i32
      %cond3A_50 = arith.cmpi ne, %convert_element_type3A_48, %cond3A_49 : i32
      scf.if %cond3A_50 {
        %dma_wait3A_150 = arith.constant 0 : i32
        %dma_wait3A_151 = arith.constant 0 : i32
        %dma_wait3A_152 = tpu.memref_slice %arg4[%dma_wait3A_150, %dma_wait3A_151] : memref<32768x1024xf32, #tpu.memory_space<hbm>> -> memref<16x1024xf32, #tpu.memory_space<hbm>>
        %dma_wait3A_153 = arith.constant 0 : i32
        %dma_wait3A_154 = arith.constant 0 : i32
        %dma_wait3A_155 = tpu.memref_slice %arg4[%dma_wait3A_153, %dma_wait3A_154] : memref<32768x1024xf32, #tpu.memory_space<hbm>> -> memref<16x1024xf32, #tpu.memory_space<hbm>>
        tpu.wait_dma2 semaphore(%arg13 : memref<!tpu.dma_semaphore, #tpu.memory_space<semaphore_mem>>) src(%arg8 : memref<16x1024xf32, #tpu.memory_space<vmem>>) dst(%dma_wait3A_155 : memref<16x1024xf32, #tpu.memory_space<hbm>>)
      } else {
      }
      %mul3A_51 = arith.constant 32 : i32
      %mul3A_52 = arith.muli %add3A_46, %mul3A_51 : i32
      %add3A_53 = arith.addi %add3A, %mul3A_52 : i32
      %mul3A_54 = arith.constant 16 : i32
      %mul3A_55 = arith.muli %add3A_53, %mul3A_54 : i32
      %multiple_of3A_56 = tpu.assume_multiple %mul3A_55, 16 : i32
      %shift_right_arithmetic3A_57 = arith.constant 12 : i32
      %shift_right_arithmetic3A_58 = arith.shrsi %multiple_of3A_56, %shift_right_arithmetic3A_57 : i32
      %and3A_59 = arith.constant 4095 : i32
      %and3A_60 = arith.andi %multiple_of3A_56, %and3A_59 : i32
      %multiple_of3A_61 = tpu.assume_multiple %and3A_60, 16 : i32
      %get3A_62 = arith.index_cast %shift_right_arithmetic3A_58 : i32 to index
      %get3A_63 = tpu.vector_load %arg5[%get3A_62] {strides = array<i32>} : memref<32xi32, #tpu.memory_space<vmem>>, vector<16xi32>,
      %get3A_64 = vector.shape_cast %get3A_63 : vector<16xi32> to vector<16xi32>
      %slice3A_65 = vector.extract_strided_slice %get3A_64 {offsets = [0], sizes = [1], strides = [1]} : vector<16xi32> to vector<1xi32>
      %squeeze3A_66 = vector.extract %slice3A_65[0] : i32 from vector<1xi32>
      %sub3A_67 = arith.subi %squeeze3A_66, %multiple_of3A_61 : i32
      %jit3A_68 = arith.constant 0 : i32
      %jit3A_69 = arith.constant 16 : i32
      %max3A_70 = arith.maxsi %jit3A_68, %sub3A_67 : i32
      %min3A_71 = arith.minsi %jit3A_69, %max3A_70 : i32
      %gt3A_72 = arith.constant 0 : i32
      %gt3A_73 = arith.cmpi sgt, %min3A_71, %gt3A_72 : i32
      %convert_element_type3A_74 = arith.extui %gt3A_73 : i1 to i32
      %cond3A_75 = arith.constant 0 : i32
      %cond3A_76 = arith.cmpi ne, %convert_element_type3A_74, %cond3A_75 : i32
      scf.if %cond3A_76 {
        %add3A_150 = arith.constant 0 : i32
        %add3A_151 = vector.broadcast %add3A_150 : i32 to vector<16xi32>
        %add3A_152 = arith.addi %iota3A, %add3A_151 : vector<16xi32>
        %lt3A = vector.broadcast %min3A_71 : i32 to vector<16xi32>
        %lt3A_153 = arith.cmpi slt, %add3A_152, %lt3A : vector<16xi32>
        %add3A_154 = arith.constant 1 : i32
        %add3A_155 = arith.addi %multiple_of3A_61, %add3A_154 : i32
        %add3A_156 = vector.broadcast %add3A_155 : i32 to vector<16xi32>
        %add3A_157 = arith.addi %add3A_156, %add3A_152 : vector<16xi32>
        %jit3A_158 = arith.constant 0 : i32
        %broadcast_in_dim3A_159 = vector.broadcast %jit3A_158 : i32 to vector<16xi32>
        %select_n3A = arith.select %lt3A_153, %add3A_157, %broadcast_in_dim3A_159 : vector<16xi1>, vector<16xi32>
        %swap3A_160 = arith.constant 0 : index
        %swap3A_161 = tpu.vector_load %arg6[%swap3A_160] {strides = array<i32>} : memref<16xi32, #tpu.memory_space<vmem>>, vector<16xi32>,
        %swap3A_162 = vector.shape_cast %swap3A_161 : vector<16xi32> to vector<16xi32>
        %swap3A_163 = vector.shape_cast %select_n3A : vector<16xi32> to vector<16xi32>
        tpu.vector_store %arg6[%swap3A_160], %swap3A_163 {strides = array<i32>} : memref<16xi32, #tpu.memory_space<vmem>>, vector<16xi32>,
        %dma_start3A_164 = arith.constant 0 : i32
        %dma_start3A_165 = arith.constant 0 : i32
        %dma_start3A_166 = tpu.memref_slice %arg3[%dma_start3A_164, %dma_start3A_165] : memref<4097x1024xf32, #tpu.memory_space<hbm>> -> memref<4097x1024xf32, #tpu.memory_space<hbm>>
        tpu.enqueue_indirect_dma source(%dma_start3A_166 : memref<4097x1024xf32, #tpu.memory_space<hbm>>) target(%arg8 : memref<16x1024xf32, #tpu.memory_space<vmem>>) offsets(%arg6 : memref<16xi32, #tpu.memory_space<vmem>>) semaphore(%arg11 : memref<!tpu.dma_semaphore, #tpu.memory_space<semaphore_mem>>)
      } else {
      }
      %ge3A_77 = arith.constant 1 : i32
      %ge3A_78 = arith.cmpi sge, %add3A_46, %ge3A_77 : i32
      %convert_element_type3A_79 = arith.extui %ge3A_78 : i1 to i32
      %cond3A_80 = arith.constant 0 : i32
      %cond3A_81 = arith.cmpi ne, %convert_element_type3A_79, %cond3A_80 : i32
      scf.if %cond3A_81 {
        %sub3A_150 = arith.constant 1 : i32
        %sub3A_151 = arith.subi %add3A_46, %sub3A_150 : i32
        %mul3A_152 = arith.constant 32 : i32
        %mul3A_153 = arith.muli %sub3A_151, %mul3A_152 : i32
        %add3A_154 = arith.addi %add3A, %mul3A_153 : i32
        %mul3A_155 = arith.constant 16 : i32
        %mul3A_156 = arith.muli %add3A_154, %mul3A_155 : i32
        %multiple_of3A_157 = tpu.assume_multiple %mul3A_156, 16 : i32
        %shift_right_arithmetic3A_158 = arith.constant 12 : i32
        %shift_right_arithmetic3A_159 = arith.shrsi %multiple_of3A_157, %shift_right_arithmetic3A_158 : i32
        %and3A_160 = arith.constant 4095 : i32
        %and3A_161 = arith.andi %multiple_of3A_157, %and3A_160 : i32
        %multiple_of3A_162 = tpu.assume_multiple %and3A_161, 16 : i32
        %get3A_163 = arith.index_cast %shift_right_arithmetic3A_159 : i32 to index
        %get3A_164 = tpu.vector_load %arg5[%get3A_163] {strides = array<i32>} : memref<32xi32, #tpu.memory_space<vmem>>, vector<16xi32>,
        %get3A_165 = vector.shape_cast %get3A_164 : vector<16xi32> to vector<16xi32>
        %slice3A_166 = vector.extract_strided_slice %get3A_165 {offsets = [0], sizes = [1], strides = [1]} : vector<16xi32> to vector<1xi32>
        %squeeze3A_167 = vector.extract %slice3A_166[0] : i32 from vector<1xi32>
        %sub3A_168 = arith.subi %squeeze3A_167, %multiple_of3A_162 : i32
        %jit3A_169 = arith.constant 0 : i32
        %jit3A_170 = arith.constant 16 : i32
        %max3A_171 = arith.maxsi %jit3A_169, %sub3A_168 : i32
        %min3A_172 = arith.minsi %jit3A_170, %max3A_171 : i32
        %gt3A_173 = arith.constant 0 : i32
        %gt3A_174 = arith.cmpi sgt, %min3A_172, %gt3A_173 : i32
        %convert_element_type3A_175 = arith.extui %gt3A_174 : i1 to i32
        %cond3A_176 = arith.constant 0 : i32
        %cond3A_177 = arith.cmpi ne, %convert_element_type3A_175, %cond3A_176 : i32
        scf.if %cond3A_177 {
          %dma_wait3A_183 = arith.constant 0 : i32
          %dma_wait3A_184 = arith.constant 0 : i32
          %dma_wait3A_185 = tpu.memref_slice %arg3[%dma_wait3A_183, %dma_wait3A_184] : memref<4097x1024xf32, #tpu.memory_space<hbm>> -> memref<4097x1024xf32, #tpu.memory_space<hbm>>
          tpu.wait_indirect_dma semaphore(%arg12 : memref<!tpu.dma_semaphore, #tpu.memory_space<semaphore_mem>>) src(%dma_wait3A_185 : memref<4097x1024xf32, #tpu.memory_space<hbm>>) dst(%arg9 : memref<16x1024xf32, #tpu.memory_space<vmem>>)
          %dma_start3A_186 = arith.constant 0 : i32
          %dma_start3A_187 = tpu.memref_slice %arg4[%multiple_of3A_157, %dma_start3A_186] : memref<32768x1024xf32, #tpu.memory_space<hbm>> -> memref<16x1024xf32, #tpu.memory_space<hbm>>
          %dma_start3A_188 = arith.constant 0 : i32
          %dma_start3A_189 = tpu.memref_slice %arg4[%multiple_of3A_157, %dma_start3A_188] : memref<32768x1024xf32, #tpu.memory_space<hbm>> -> memref<16x1024xf32, #tpu.memory_space<hbm>>
          tpu.enqueue_dma source(%arg9 : memref<16x1024xf32, #tpu.memory_space<vmem>>) target(%dma_start3A_189 : memref<16x1024xf32, #tpu.memory_space<hbm>>) target_semaphore(%arg14 : memref<!tpu.dma_semaphore, #tpu.memory_space<semaphore_mem>>)
        } else {
        }
        %eq3A_178 = arith.constant 0 : i32
        %eq3A_179 = arith.cmpi eq, %min3A_172, %eq3A_178 : i32
        %convert_element_type3A_180 = arith.extui %eq3A_179 : i1 to i32
        %cond3A_181 = arith.constant 0 : i32
        %cond3A_182 = arith.cmpi ne, %convert_element_type3A_180, %cond3A_181 : i32
        scf.if %cond3A_182 {
          %dma_start3A_183 = arith.constant 0 : i32
          %dma_start3A_184 = tpu.memref_slice %arg4[%multiple_of3A_157, %dma_start3A_183] : memref<32768x1024xf32, #tpu.memory_space<hbm>> -> memref<16x1024xf32, #tpu.memory_space<hbm>>
          %dma_start3A_185 = arith.constant 0 : i32
          %dma_start3A_186 = tpu.memref_slice %arg4[%multiple_of3A_157, %dma_start3A_185] : memref<32768x1024xf32, #tpu.memory_space<hbm>> -> memref<16x1024xf32, #tpu.memory_space<hbm>>
          tpu.enqueue_dma source(%arg10 : memref<16x1024xf32, #tpu.memory_space<vmem>>) target(%dma_start3A_186 : memref<16x1024xf32, #tpu.memory_space<hbm>>) target_semaphore(%arg14 : memref<!tpu.dma_semaphore, #tpu.memory_space<semaphore_mem>>)
        } else {
        }
      } else {
      }
      %mul3A_82 = arith.constant 2 : i32
      %mul3A_83 = arith.muli %mul3A_82, %scan3A_42 : i32
      %add3A_84 = arith.constant 1 : i32
      %add3A_85 = arith.addi %mul3A_83, %add3A_84 : i32
      %ge3A_86 = arith.constant 2 : i32
      %ge3A_87 = arith.cmpi sge, %add3A_85, %ge3A_86 : i32
      %convert_element_type3A_88 = arith.extui %ge3A_87 : i1 to i32
      %cond3A_89 = arith.constant 0 : i32
      %cond3A_90 = arith.cmpi ne, %convert_element_type3A_88, %cond3A_89 : i32
      scf.if %cond3A_90 {
        %dma_wait3A_150 = arith.constant 0 : i32
        %dma_wait3A_151 = arith.constant 0 : i32
        %dma_wait3A_152 = tpu.memref_slice %arg4[%dma_wait3A_150, %dma_wait3A_151] : memref<32768x1024xf32, #tpu.memory_space<hbm>> -> memref<16x1024xf32, #tpu.memory_space<hbm>>
        %dma_wait3A_153 = arith.constant 0 : i32
        %dma_wait3A_154 = arith.constant 0 : i32
        %dma_wait3A_155 = tpu.memref_slice %arg4[%dma_wait3A_153, %dma_wait3A_154] : memref<32768x1024xf32, #tpu.memory_space<hbm>> -> memref<16x1024xf32, #tpu.memory_space<hbm>>
        tpu.wait_dma2 semaphore(%arg14 : memref<!tpu.dma_semaphore, #tpu.memory_space<semaphore_mem>>) src(%arg9 : memref<16x1024xf32, #tpu.memory_space<vmem>>) dst(%dma_wait3A_155 : memref<16x1024xf32, #tpu.memory_space<hbm>>)
      } else {
      }
      %mul3A_91 = arith.constant 32 : i32
      %mul3A_92 = arith.muli %add3A_85, %mul3A_91 : i32
      %add3A_93 = arith.addi %add3A, %mul3A_92 : i32
      %mul3A_94 = arith.constant 16 : i32
      %mul3A_95 = arith.muli %add3A_93, %mul3A_94 : i32
      %multiple_of3A_96 = tpu.assume_multiple %mul3A_95, 16 : i32
      %shift_right_arithmetic3A_97 = arith.constant 12 : i32
      %shift_right_arithmetic3A_98 = arith.shrsi %multiple_of3A_96, %shift_right_arithmetic3A_97 : i32
      %and3A_99 = arith.constant 4095 : i32
      %and3A_100 = arith.andi %multiple_of3A_96, %and3A_99 : i32
      %multiple_of3A_101 = tpu.assume_multiple %and3A_100, 16 : i32
      %get3A_102 = arith.index_cast %shift_right_arithmetic3A_98 : i32 to index
      %get3A_103 = tpu.vector_load %arg5[%get3A_102] {strides = array<i32>} : memref<32xi32, #tpu.memory_space<vmem>>, vector<16xi32>,
      %get3A_104 = vector.shape_cast %get3A_103 : vector<16xi32> to vector<16xi32>
      %slice3A_105 = vector.extract_strided_slice %get3A_104 {offsets = [0], sizes = [1], strides = [1]} : vector<16xi32> to vector<1xi32>
      %squeeze3A_106 = vector.extract %slice3A_105[0] : i32 from vector<1xi32>
      %sub3A_107 = arith.subi %squeeze3A_106, %multiple_of3A_101 : i32
      %jit3A_108 = arith.constant 0 : i32
      %jit3A_109 = arith.constant 16 : i32
      %max3A_110 = arith.maxsi %jit3A_108, %sub3A_107 : i32
      %min3A_111 = arith.minsi %jit3A_109, %max3A_110 : i32
      %gt3A_112 = arith.constant 0 : i32
      %gt3A_113 = arith.cmpi sgt, %min3A_111, %gt3A_112 : i32
      %convert_element_type3A_114 = arith.extui %gt3A_113 : i1 to i32
      %cond3A_115 = arith.constant 0 : i32
      %cond3A_116 = arith.cmpi ne, %convert_element_type3A_114, %cond3A_115 : i32
      scf.if %cond3A_116 {
        %add3A_150 = arith.constant 0 : i32
        %add3A_151 = vector.broadcast %add3A_150 : i32 to vector<16xi32>
        %add3A_152 = arith.addi %iota3A, %add3A_151 : vector<16xi32>
        %lt3A = vector.broadcast %min3A_111 : i32 to vector<16xi32>
        %lt3A_153 = arith.cmpi slt, %add3A_152, %lt3A : vector<16xi32>
        %add3A_154 = arith.constant 1 : i32
        %add3A_155 = arith.addi %multiple_of3A_101, %add3A_154 : i32
        %add3A_156 = vector.broadcast %add3A_155 : i32 to vector<16xi32>
        %add3A_157 = arith.addi %add3A_156, %add3A_152 : vector<16xi32>
        %jit3A_158 = arith.constant 0 : i32
        %broadcast_in_dim3A_159 = vector.broadcast %jit3A_158 : i32 to vector<16xi32>
        %select_n3A = arith.select %lt3A_153, %add3A_157, %broadcast_in_dim3A_159 : vector<16xi1>, vector<16xi32>
        %swap3A_160 = arith.constant 0 : index
        %swap3A_161 = tpu.vector_load %arg7[%swap3A_160] {strides = array<i32>} : memref<16xi32, #tpu.memory_space<vmem>>, vector<16xi32>,
        %swap3A_162 = vector.shape_cast %swap3A_161 : vector<16xi32> to vector<16xi32>
        %swap3A_163 = vector.shape_cast %select_n3A : vector<16xi32> to vector<16xi32>
        tpu.vector_store %arg7[%swap3A_160], %swap3A_163 {strides = array<i32>} : memref<16xi32, #tpu.memory_space<vmem>>, vector<16xi32>,
        %dma_start3A_164 = arith.constant 0 : i32
        %dma_start3A_165 = arith.constant 0 : i32
        %dma_start3A_166 = tpu.memref_slice %arg3[%dma_start3A_164, %dma_start3A_165] : memref<4097x1024xf32, #tpu.memory_space<hbm>> -> memref<4097x1024xf32, #tpu.memory_space<hbm>>
        tpu.enqueue_indirect_dma source(%dma_start3A_166 : memref<4097x1024xf32, #tpu.memory_space<hbm>>) target(%arg9 : memref<16x1024xf32, #tpu.memory_space<vmem>>) offsets(%arg7 : memref<16xi32, #tpu.memory_space<vmem>>) semaphore(%arg12 : memref<!tpu.dma_semaphore, #tpu.memory_space<semaphore_mem>>)
      } else {
      }
      %sub3A_117 = arith.constant 1 : i32
      %sub3A_118 = arith.subi %add3A_85, %sub3A_117 : i32
      %mul3A_119 = arith.constant 32 : i32
      %mul3A_120 = arith.muli %sub3A_118, %mul3A_119 : i32
      %add3A_121 = arith.addi %add3A, %mul3A_120 : i32
      %mul3A_122 = arith.constant 16 : i32
      %mul3A_123 = arith.muli %add3A_121, %mul3A_122 : i32
      %multiple_of3A_124 = tpu.assume_multiple %mul3A_123, 16 : i32
      %shift_right_arithmetic3A_125 = arith.constant 12 : i32
      %shift_right_arithmetic3A_126 = arith.shrsi %multiple_of3A_124, %shift_right_arithmetic3A_125 : i32
      %and3A_127 = arith.constant 4095 : i32
      %and3A_128 = arith.andi %multiple_of3A_124, %and3A_127 : i32
      %multiple_of3A_129 = tpu.assume_multiple %and3A_128, 16 : i32
      %get3A_130 = arith.index_cast %shift_right_arithmetic3A_126 : i32 to index
      %get3A_131 = tpu.vector_load %arg5[%get3A_130] {strides = array<i32>} : memref<32xi32, #tpu.memory_space<vmem>>, vector<16xi32>,
      %get3A_132 = vector.shape_cast %get3A_131 : vector<16xi32> to vector<16xi32>
      %slice3A_133 = vector.extract_strided_slice %get3A_132 {offsets = [0], sizes = [1], strides = [1]} : vector<16xi32> to vector<1xi32>
      %squeeze3A_134 = vector.extract %slice3A_133[0] : i32 from vector<1xi32>
      %sub3A_135 = arith.subi %squeeze3A_134, %multiple_of3A_129 : i32
      %jit3A_136 = arith.constant 0 : i32
      %jit3A_137 = arith.constant 16 : i32
      %max3A_138 = arith.maxsi %jit3A_136, %sub3A_135 : i32
      %min3A_139 = arith.minsi %jit3A_137, %max3A_138 : i32
      %gt3A_140 = arith.constant 0 : i32
      %gt3A_141 = arith.cmpi sgt, %min3A_139, %gt3A_140 : i32
      %convert_element_type3A_142 = arith.extui %gt3A_141 : i1 to i32
      %cond3A_143 = arith.constant 0 : i32
      %cond3A_144 = arith.cmpi ne, %convert_element_type3A_142, %cond3A_143 : i32
      scf.if %cond3A_144 {
        %dma_wait3A_150 = arith.constant 0 : i32
        %dma_wait3A_151 = arith.constant 0 : i32
        %dma_wait3A_152 = tpu.memref_slice %arg3[%dma_wait3A_150, %dma_wait3A_151] : memref<4097x1024xf32, #tpu.memory_space<hbm>> -> memref<4097x1024xf32, #tpu.memory_space<hbm>>
        tpu.wait_indirect_dma semaphore(%arg11 : memref<!tpu.dma_semaphore, #tpu.memory_space<semaphore_mem>>) src(%dma_wait3A_152 : memref<4097x1024xf32, #tpu.memory_space<hbm>>) dst(%arg8 : memref<16x1024xf32, #tpu.memory_space<vmem>>)
        %dma_start3A_153 = arith.constant 0 : i32
        %dma_start3A_154 = tpu.memref_slice %arg4[%multiple_of3A_124, %dma_start3A_153] : memref<32768x1024xf32, #tpu.memory_space<hbm>> -> memref<16x1024xf32, #tpu.memory_space<hbm>>
        %dma_start3A_155 = arith.constant 0 : i32
        %dma_start3A_156 = tpu.memref_slice %arg4[%multiple_of3A_124, %dma_start3A_155] : memref<32768x1024xf32, #tpu.memory_space<hbm>> -> memref<16x1024xf32, #tpu.memory_space<hbm>>
        tpu.enqueue_dma source(%arg8 : memref<16x1024xf32, #tpu.memory_space<vmem>>) target(%dma_start3A_156 : memref<16x1024xf32, #tpu.memory_space<hbm>>) target_semaphore(%arg13 : memref<!tpu.dma_semaphore, #tpu.memory_space<semaphore_mem>>)
      } else {
      }
      %eq3A_145 = arith.constant 0 : i32
      %eq3A_146 = arith.cmpi eq, %min3A_139, %eq3A_145 : i32
      %convert_element_type3A_147 = arith.extui %eq3A_146 : i1 to i32
      %cond3A_148 = arith.constant 0 : i32
      %cond3A_149 = arith.cmpi ne, %convert_element_type3A_147, %cond3A_148 : i32
      scf.if %cond3A_149 {
        %dma_start3A_150 = arith.constant 0 : i32
        %dma_start3A_151 = tpu.memref_slice %arg4[%multiple_of3A_124, %dma_start3A_150] : memref<32768x1024xf32, #tpu.memory_space<hbm>> -> memref<16x1024xf32, #tpu.memory_space<hbm>>
        %dma_start3A_152 = arith.constant 0 : i32
        %dma_start3A_153 = tpu.memref_slice %arg4[%multiple_of3A_124, %dma_start3A_152] : memref<32768x1024xf32, #tpu.memory_space<hbm>> -> memref<16x1024xf32, #tpu.memory_space<hbm>>
        tpu.enqueue_dma source(%arg10 : memref<16x1024xf32, #tpu.memory_space<vmem>>) target(%dma_start3A_153 : memref<16x1024xf32, #tpu.memory_space<hbm>>) target_semaphore(%arg13 : memref<!tpu.dma_semaphore, #tpu.memory_space<semaphore_mem>>)
      } else {
      }
    }
    %scan3A_13 = arith.constant 32 : i32
    %add3A_14 = arith.constant 2016 : i32
    %add3A_15 = arith.addi %add3A, %add3A_14 : i32
    %mul3A_16 = arith.constant 16 : i32
    %mul3A_17 = arith.muli %add3A_15, %mul3A_16 : i32
    %multiple_of3A = tpu.assume_multiple %mul3A_17, 16 : i32
    %shift_right_arithmetic3A = arith.constant 12 : i32
    %shift_right_arithmetic3A_18 = arith.shrsi %multiple_of3A, %shift_right_arithmetic3A : i32
    %and3A = arith.constant 4095 : i32
    %and3A_19 = arith.andi %multiple_of3A, %and3A : i32
    %multiple_of3A_20 = tpu.assume_multiple %and3A_19, 16 : i32
    %get3A = arith.index_cast %shift_right_arithmetic3A_18 : i32 to index
    %get3A_21 = tpu.vector_load %arg5[%get3A] {strides = array<i32>} : memref<32xi32, #tpu.memory_space<vmem>>, vector<16xi32>,
    %get3A_22 = vector.shape_cast %get3A_21 : vector<16xi32> to vector<16xi32>
    %slice3A = vector.extract_strided_slice %get3A_22 {offsets = [0], sizes = [1], strides = [1]} : vector<16xi32> to vector<1xi32>
    %squeeze3A = vector.extract %slice3A[0] : i32 from vector<1xi32>
    %sub3A = arith.subi %squeeze3A, %multiple_of3A_20 : i32
    %jit3A = arith.constant 0 : i32
    %jit3A_23 = arith.constant 16 : i32
    %max3A = arith.maxsi %jit3A, %sub3A : i32
    %min3A = arith.minsi %jit3A_23, %max3A : i32
    %gt3A = arith.constant 0 : i32
    %gt3A_24 = arith.cmpi sgt, %min3A, %gt3A : i32
    %convert_element_type3A = arith.extui %gt3A_24 : i1 to i32
    %cond3A = arith.constant 0 : i32
    %cond3A_25 = arith.cmpi ne, %convert_element_type3A, %cond3A : i32
    scf.if %cond3A_25 {
      %dma_wait3A_42 = arith.constant 0 : i32
      %dma_wait3A_43 = arith.constant 0 : i32
      %dma_wait3A_44 = tpu.memref_slice %arg3[%dma_wait3A_42, %dma_wait3A_43] : memref<4097x1024xf32, #tpu.memory_space<hbm>> -> memref<4097x1024xf32, #tpu.memory_space<hbm>>
      tpu.wait_indirect_dma semaphore(%arg12 : memref<!tpu.dma_semaphore, #tpu.memory_space<semaphore_mem>>) src(%dma_wait3A_44 : memref<4097x1024xf32, #tpu.memory_space<hbm>>) dst(%arg9 : memref<16x1024xf32, #tpu.memory_space<vmem>>)
      %dma_start3A_45 = arith.constant 0 : i32
      %dma_start3A_46 = tpu.memref_slice %arg4[%multiple_of3A, %dma_start3A_45] : memref<32768x1024xf32, #tpu.memory_space<hbm>> -> memref<16x1024xf32, #tpu.memory_space<hbm>>
      %dma_start3A_47 = arith.constant 0 : i32
      %dma_start3A_48 = tpu.memref_slice %arg4[%multiple_of3A, %dma_start3A_47] : memref<32768x1024xf32, #tpu.memory_space<hbm>> -> memref<16x1024xf32, #tpu.memory_space<hbm>>
      tpu.enqueue_dma source(%arg9 : memref<16x1024xf32, #tpu.memory_space<vmem>>) target(%dma_start3A_48 : memref<16x1024xf32, #tpu.memory_space<hbm>>) target_semaphore(%arg14 : memref<!tpu.dma_semaphore, #tpu.memory_space<semaphore_mem>>)
    } else {
    }
    %eq3A = arith.constant 0 : i32
    %eq3A_26 = arith.cmpi eq, %min3A, %eq3A : i32
    %convert_element_type3A_27 = arith.extui %eq3A_26 : i1 to i32
    %cond3A_28 = arith.constant 0 : i32
    %cond3A_29 = arith.cmpi ne, %convert_element_type3A_27, %cond3A_28 : i32
    scf.if %cond3A_29 {
      %dma_start3A_42 = arith.constant 0 : i32
      %dma_start3A_43 = tpu.memref_slice %arg4[%multiple_of3A, %dma_start3A_42] : memref<32768x1024xf32, #tpu.memory_space<hbm>> -> memref<16x1024xf32, #tpu.memory_space<hbm>>
      %dma_start3A_44 = arith.constant 0 : i32
      %dma_start3A_45 = tpu.memref_slice %arg4[%multiple_of3A, %dma_start3A_44] : memref<32768x1024xf32, #tpu.memory_space<hbm>> -> memref<16x1024xf32, #tpu.memory_space<hbm>>
      tpu.enqueue_dma source(%arg10 : memref<16x1024xf32, #tpu.memory_space<vmem>>) target(%dma_start3A_45 : memref<16x1024xf32, #tpu.memory_space<hbm>>) target_semaphore(%arg14 : memref<!tpu.dma_semaphore, #tpu.memory_space<semaphore_mem>>)
    } else {
    }
    %dma_wait3A_30 = arith.constant 0 : i32
    %dma_wait3A_31 = arith.constant 0 : i32
    %dma_wait3A_32 = tpu.memref_slice %arg4[%dma_wait3A_30, %dma_wait3A_31] : memref<32768x1024xf32, #tpu.memory_space<hbm>> -> memref<16x1024xf32, #tpu.memory_space<hbm>>
    %dma_wait3A_33 = arith.constant 0 : i32
    %dma_wait3A_34 = arith.constant 0 : i32
    %dma_wait3A_35 = tpu.memref_slice %arg4[%dma_wait3A_33, %dma_wait3A_34] : memref<32768x1024xf32, #tpu.memory_space<hbm>> -> memref<16x1024xf32, #tpu.memory_space<hbm>>
    tpu.wait_dma2 semaphore(%arg13 : memref<!tpu.dma_semaphore, #tpu.memory_space<semaphore_mem>>) src(%arg8 : memref<16x1024xf32, #tpu.memory_space<vmem>>) dst(%dma_wait3A_35 : memref<16x1024xf32, #tpu.memory_space<hbm>>)
    %dma_wait3A_36 = arith.constant 0 : i32
    %dma_wait3A_37 = arith.constant 0 : i32
    %dma_wait3A_38 = tpu.memref_slice %arg4[%dma_wait3A_36, %dma_wait3A_37] : memref<32768x1024xf32, #tpu.memory_space<hbm>> -> memref<16x1024xf32, #tpu.memory_space<hbm>>
    %dma_wait3A_39 = arith.constant 0 : i32
    %dma_wait3A_40 = arith.constant 0 : i32
    %dma_wait3A_41 = tpu.memref_slice %arg4[%dma_wait3A_39, %dma_wait3A_40] : memref<32768x1024xf32, #tpu.memory_space<hbm>> -> memref<16x1024xf32, #tpu.memory_space<hbm>>
    tpu.wait_dma2 semaphore(%arg14 : memref<!tpu.dma_semaphore, #tpu.memory_space<semaphore_mem>>) src(%arg9 : memref<16x1024xf32, #tpu.memory_space<vmem>>) dst(%dma_wait3A_41 : memref<16x1024xf32, #tpu.memory_space<hbm>>)
    return
  }
}

</mosaic_0001>

<sc_bundles>
// kernel: kernel.3.cloned.1.call-start
scs
__scs_entry_jumppad:
0x0: {  	(pc) =	sbr.rel $0x88, $3  }
0x1: {  	(tag) =	ssettag $0x0;
	lr =	simm.s32 $0x1  }
0x2: {  	[smem:$0x3F9F] =	sst lr;
	_ =	strace $0xD0000000  }
0x3: {  	_ = 	snop  }
0x4: {  	_ = 	snop  }
0x5: {  	_ = 	snop  }
0x6: {  	_ = 	snop  }
0x7: {  	_ = 	snop  }
__scs_overlays_trampoline_lowered:
0x8: {  	[smem:$0x3FAE] =	sst s0  }
0x9: {  	[smem:$0x3FAF] =	sst s1  }
0xa: {  	[smem:$0x3FB0] =	sst s2  }
0xb: {  	[smem:$0x3FB1] =	sst s3  }
0xc: {  	[smem:$0x3FB2] =	sst s4  }
0xd: {  	[smem:$0x3FB3] =	sst s5  }
0xe: {  	[smem:$0x3FB4] =	sst s6  }
0xf: {  	[smem:$0x3FB5] =	sst s7  }
0x10: {  	[smem:$0x3FB6] =	sst s8  }
0x11: {  	[smem:$0x3FB7] =	sst s9;
	s0 =	simm.s32 @!p0 $0x0  }
0x12: {  	s1 =	sld [smem:$0x3F9D];
	s0 =	simm.s32 @p0 $0x1  }
0x13: {  	[smem:$0x3FB8] =	sst s0;
	s0 =	simm.s32 @!p1 $0x0  }
0x14: {  	s2 =	sld [smem:$0x3F9C];
	s0 =	simm.s32 @p1 $0x1  }
0x15: {  	[smem:$0x3FB9] =	sst s0;
	s0 =	simm.s32 @!p2 $0x0  }
0x16: {  	s3 =	sld [smem:$0x3FDB];
	s0 =	simm.s32 @p2 $0x1  }
0x17: {  	s4 =	simm.s32 $0x1BF5;
	[smem:$0x3FBB] =	sst s0  }
0x18: {  	s0 =	sld [smem:$0x3F9E];
	_ =	swait.ge [sflag:s4], $0x0  }
0x19: {  	s7 =	sld [smem:$0x3F9F]  }
0x1a: {  	s8 =	sadd.s32 $0xFFFFE003, lr  }
0x1b: {  	s9 =	sadd.s32 $0xFFFFFEF7, lr;
	s5 =	simm.s32 $0xFFFFFFFF;
	p2 =	slt.u32 s8, $0xFFFFF086  }
0x1c: {  	p1 =	slt.u32 s9, $0xF7A;
	s5 =	simm.s32 @!p2 $0x0  }
0x1d: {  	s5 =	simm.s32 @p1 $0x1;
	p0 =	seq.s32 s7, s2  }
0x1e: {  	s7 =	smul.u32 @!p0 $0xF7A, s2;
	p2 =	seq.s32 @!p0 s5, $0x0  }
0x1f: {  	s9 =	smul.u32 $0xF7A, s1;
	s8 =	simm.s32 @!p0 $0x1BF5;
	p2 =	por !p2, p0  }
0x20: {  	[sflag:s8] =	ssyncset.s32 @!p0 $0xFFFFF086;
	s6 =	sadd.s32 @!p0 s3, s7;
	s7 =	simm.s32 @!p0 $0x108  }
0x21: {  	s3 =	sadd.s32 s3, s9;
	s6 =	sadd.s32 @!p0 $0x88, s6;
	s7 =	simm.s32 @p2 $0x1082  }
0x22: {  	[simem:s7], [sflag:s8] =	dma.local @!p0 [hbm:s6], $0xF7A  }
0x23: {  	s9 =	sor.u32 $0xD0000000, s2;
	s6 =	simm.s32 $0x108;
	_ =	swait.ge @!p0 [sflag:s8], $0x0  }
0x24: {  	s3 =	sadd.s32 $0x88, s3;
	s6 =	simm.s32 @!p1 $0x1082;
	[sflag:s4] =	ssyncset.s32 $0xFFFFF086  }
0x25: {  	[simem:s6], [sflag:s4] =	dma.local [hbm:s3], $0xF7A  }
0x26: {  	[smem:$0x3F9F] =	sst s1;
	(tag) =	ssettag s2;
	_ =	strace s9  }
0x27: {  	s1 =	sld [smem:$0x3FAF]  }
0x28: {  	s2 =	sld [smem:$0x3FB0]  }
0x29: {  	s4 =	sld [smem:$0x3FB2]  }
0x2a: {  	p0 =	seq.s32 s5, $0x0;
	s5 =	sld [smem:$0x3FB3]  }
0x2b: {  	s6 =	sld [smem:$0x3FB4]  }
0x2c: {  	s7 =	sld [smem:$0x3FB5]  }
0x2d: {  	s3 =	simm.s32 $0x108;
	s8 =	sld [smem:$0x3FB6]  }
0x2e: {  	s3 =	simm.s32 @!p0 $0x1082;
	s9 =	sld [smem:$0x3FB7]  }
0x2f: {  	lr =	sadd.s32 s0, s3;
	s0 =	sld [smem:$0x3FAE]  }
0x30: {  	s3 =	sld [smem:$0x3FB1]  }
0x31: {  	[smem:$0x3FBA] =	sst s10  }
0x32: {  	s10 =	sld [smem:$0x3FB8];
	_ =	sdelay $0x3  }
0x33: {  	p0 =	seq.s32 s10, $0x1;
	s10 =	sld [smem:$0x3FBA];
	_ =	sdelay $0x3  }
0x34: {  	[smem:$0x3FBA] =	sst s10  }
0x35: {  	s10 =	sld [smem:$0x3FB9];
	_ =	sdelay $0x3  }
0x36: {  	p1 =	seq.s32 s10, $0x1;
	s10 =	sld [smem:$0x3FBA];
	_ =	sdelay $0x3  }
0x37: {  	[smem:$0x3FBA] =	sst s10  }
0x38: {  	s10 =	sld [smem:$0x3FBB]  }
0x39: {  	_ = 	snop;
	(pc) =	sbr.ind lr, $3  }
0x3a: {  	_ = 	snop  }
0x3b: {  	_ = 	snop  }
0x3c: {  	p2 =	seq.s32 s10, $0x1;
	s10 =	sld [smem:$0x3FBA]  }
0x3d: {  	_ =	shalt  }
0x3e: {  	_ =	shalt  }
0x3f: {  	_ =	shalt  }
0x40: {  	_ =	shalt  }
0x41: {  	_ =	shalt  }
0x42: {  	_ =	shalt  }
0x43: {  	_ =	shalt  }
0x44: {  	_ =	shalt  }
0x45: {  	_ =	shalt  }
0x46: {  	_ =	shalt  }
0x47: {  	_ =	shalt  }
0x48: {  	_ =	shalt  }
0x49: {  	_ =	shalt  }
0x4a: {  	_ =	shalt  }
0x4b: {  	_ =	shalt  }
0x4c: {  	_ =	shalt  }
0x4d: {  	_ =	shalt  }
0x4e: {  	_ =	shalt  }
0x4f: {  	_ =	shalt  }
0x50: {  	_ =	shalt  }
0x51: {  	_ =	shalt  }
0x52: {  	_ =	shalt  }
0x53: {  	_ =	shalt  }
0x54: {  	_ =	shalt  }
0x55: {  	_ =	shalt  }
0x56: {  	_ =	shalt  }
0x57: {  	_ =	shalt  }
0x58: {  	_ =	shalt  }
0x59: {  	_ =	shalt  }
0x5a: {  	_ =	shalt  }
0x5b: {  	_ =	shalt  }
0x5c: {  	_ =	shalt  }
0x5d: {  	_ =	shalt  }
0x5e: {  	_ =	shalt  }
0x5f: {  	_ =	shalt  }
0x60: {  	_ =	shalt  }
0x61: {  	_ =	shalt  }
0x62: {  	_ =	shalt  }
0x63: {  	_ =	shalt  }
0x64: {  	_ =	shalt  }
0x65: {  	_ =	shalt  }
0x66: {  	_ =	shalt  }
0x67: {  	_ =	shalt  }
0x68: {  	_ =	shalt  }
0x69: {  	_ =	shalt  }
0x6a: {  	_ =	shalt  }
0x6b: {  	_ =	shalt  }
0x6c: {  	_ =	shalt  }
0x6d: {  	_ =	shalt  }
0x6e: {  	_ =	shalt  }
0x6f: {  	_ =	shalt  }
0x70: {  	_ =	shalt  }
0x71: {  	_ =	shalt  }
0x72: {  	_ =	shalt  }
0x73: {  	_ =	shalt  }
0x74: {  	_ =	shalt  }
0x75: {  	_ =	shalt  }
0x76: {  	_ =	shalt  }
0x77: {  	_ =	shalt  }
0x78: {  	_ =	shalt  }
0x79: {  	_ =	shalt  }
0x7a: {  	_ =	shalt  }
0x7b: {  	_ =	shalt  }
0x7c: {  	_ =	shalt  }
0x7d: {  	_ =	shalt  }
0x7e: {  	_ =	shalt  }
0x7f: {  	_ =	shalt  }
0x80: {  	_ =	shalt  }
0x81: {  	_ =	shalt  }
0x82: {  	_ =	shalt  }
0x83: {  	_ =	shalt  }
0x84: {  	_ =	shalt  }
0x85: {  	_ =	shalt  }
0x86: {  	_ =	shalt  }
0x87: {  	_ =	shalt  }
.Lfunc_end0:
.L_simem_size_0:
called_computation_lowered:
.L_overlay_start_0:
0x88: {  	s2 =	sld [smem:$0x3FD9]  }
0x89: {  	s3 =	sld [smem:$0x3FFE];
	_ =	sdelay $0x1  }
0x8a: {  	s1 =	srdreg.scid  }
0x8b: {  	s0 =	sand.u32 $0x1, s1  }
0x8c: {  	s18 =	sshll.u32 s0, $0xA;
	s2 =	sadd.s32 s3, s2  }
0x8d: {  	s2 =	sadd.s32 s2, s18  }
0x8e: {  	[smem:$0x3FC6] =	sst s2  }
0x8f: {  	_ = 	snop  }
0x90: {  	s2 =	sld [smem:$0x3FC9]  }
0x91: {  	s19 =	sld [smem:$0x3FC8]  }
0x92: {  	s4 =	sld [smem:$0x3FD0];
	(tm) =	ssettm $0x1  }
0x93: {  	s5 =	sld [smem:$0x3FFB];
	_ =	sdelay $0x3  }
0x94: {  	_ =	strace s5  }
0x95: {  	s5 =	sld [smem:$0x3FFC];
	_ =	sdelay $0x3  }
0x96: {  	_ =	strace s5  }
0x97: {  	s5 =	sld [smem:$0x3FFD];
	_ =	sdelay $0x3  }
0x98: {  	_ =	strace s5  }
0x99: {  	_ =	strace $0x8FFFFFFF  }
0x9a: {  	s20 =	sld [smem:$0x3FDB];
	_ =	sdelay $0x1  }
0x9b: {  	s6 =	simm.s32 $_scs_section_size  }
0x9c: {  	s7 =	simm.s32 $_size__tile_overlayer_lowered;
	s8 =	simm.s32 $_tile_overlayer_lowered  }
0x9d: {  	s23 =	simm.s32 $0x1BFF;
	s22 =	sshll.u32 s8, $0x1;
	s5 =	sadd.s32 s6, s20  }
0x9e: {  	s9 =	simm.s32 $0x0;
	s21 =	sshll.u32 s7, $0x1;
	s7 =	sadd.s32 s22, s5  }
0x9f: {  	[timem:s9], [sflag:s23] =	dma.local [hbm:s7], s21  }
0xa0: {  	_ =	swait.ge [sflag:s23], s21  }
0xa1: {  	s6 =	ssub.s32 $0x0, s21;
	[sflag:s23] =	ssyncset.done $0x0  }
0xa2: {  	[sflag:s23] =	ssyncadd.s32 s6;
	_ =	sdelay $0x1  }
0xa3: {  	s24 =	simm.s32 $0x1B8B  }
0xa4: {  	_ =	swait.ge [sflag:s24], $0x1  }
0xa5: {  	[sflag:s24] =	ssyncset.done $0x0  }
0xa6: {  	s25 =	simm.s32 $0x1B8E;
	[sflag:s24] =	ssyncadd.s32 $0xFFFFFFFF  }
0xa7: {  	s26 =	simm.s32 $execute0_lowered;
	[smem:$0x3FD2] =	sst s25  }
0xa8: {  	s6 =	sshll.u32 s26, $0x1;
	_ =	strace $0x80000046;
	[dreg:$0x1] =	wrdreg $0xFFFFFFFF  }
0xa9: {  	s28 =	simm.s32 $_size_execute0_lowered;
	s5 =	sadd.s32 s5, s6;
	[dreg:$0x0] =	wrdreg $0x0  }
0xaa: {  	s6 =	sshll.u32 s28, $0x1;
	[dreg:$0x2] =	wrdreg s5  }
0xab: {  	[dreg:$0x3] =	wrdreg s6  }
0xac: {  	[dreg:$0x4] =	wrdreg $0xC0  }
0xad: {  	_ =	task [dreg:s9], $0x5FFFF  }
0xae: {  	[dreg:$0x1] =	wrdreg $0xFFFFFFFF  }
0xaf: {  	[dreg:$0x0] =	wrdreg $0x60  }
0xb0: {  	[dreg:$0x2] =	wrdreg s2  }
0xb1: {  	[dreg:$0x3] =	wrdreg s19  }
0xb2: {  	[dreg:$0x4] =	wrdreg s4  }
0xb3: {  	[dreg:$0x5] =	wrdreg $0x9  }
0xb4: {  	_ =	task.clear_ibuf [dreg:s9], $0x6FFFF;
	_ =	strace $0x90000046  }
0xb5: {  	s29 =	simm.s32 $0x9;
	_ =	strace $0x80000048  }
0xb6: {  	_ =	swait.ge [sflag:s29], $0x1  }
0xb7: {  	[sflag:s29] =	ssyncadd.s32 $0xFFFFFFFF  }
0xb8: {  	_ =	strace $0x90000048  }
0xb9: {  	_ =	sfence  }
0xba: {  	s30 =	sld [smem:$0x0];
	_ =	sdelay $0x2  }
0xbb: {  	s31 =	sshll.u32 s1, $0xD;
	s1 =	sshrl.u32 s1, $0x2  }
0xbc: {  	s3 =	sand.u32 $0x4000, s31;
	s1 =	sadd.s32 s1, s30  }
0xbd: {  	s0 =	sor.u32 s3, s0;
	s1 =	sshll.u32 s1, $0x11  }
0xbe: {  	s0 =	sor.u32 s1, s0  }
0xbf: {  	s0 =	sadd.s32 $0x8F2B, s0  }
0xc0: {  	[sflag:s0] =	ssyncadd.remote.s32 $0x1  }
0xc1: {  	_ =	sfence.sel $0xFFFF  }
0xc2: {  	[dreg:$0x0] =	wrdreg $0xFFFFFFFF;
	(pc) =	sbr.abs _section_cstart, $3  }
0xc3: {  	[dreg:$0x1] =	wrdreg $0xFFFFFFFF  }
0xc4: {  	_ =	task.clear_ibuf [dreg:s9], $0x2FFFF;
	_ =	strace $0x9FFFFFFF  }
0xc5: {  	(tm) =	ssettm $0x7FFFFFFF  }
tec
execute0_lowered:
.L_overlay_start_1:
0x0: {  	(tag) =	ssettag $0x1  }
0x1: {  	s2 =	rddreg [dreg:$0x1]  }
0x2: {  	s3 =	rddreg [dreg:$0x2];
	s5 =	simm.s32 $0x0  }
0x3: {  	s0 =	srdreg.scid;
	s1 =	stileid.u32;
	s16 =	simm.s32 $0x8980  }
0x4: {  	s17 =	simm.s32 $0x9180;
	s18 =	simm.s32 $0x9980;
	s19 =	simm.s32 $0xA180  }
0x5: {  	s20 =	simm.s32 $0xA980;
	s21 =	simm.s32 $0xB180;
	s22 =	simm.s32 $0xB980  }
0x6: {  	s23 =	simm.s32 $0x1;
	s24 =	simm.s32 $0x3;
	s25 =	simm.s32 $0x4  }
0x7: {  	s26 =	simm.s32 $0x0;
	[smem:$0x7FF] =	sst s5;
	s0 =	sand.u32 $0x1, s0  }
0x8: {  	s6 =	sshll.u32 s1, $0x5;
	s14 =	sshll.u32 s1, $0xC;
	s7 =	ssub.s32 $0x2, s0  }
0x9: {  	s8 =	sshll.u32 s0, $0x4;
	_ =	strace $0x80000047;
	s0 =	sshll.u32 s0, $0xB  }
0xa: {  	v0 =	vimm.s32 $0x0;
	v1 =	vlaneseq.u32;
	s9 =	sshrl.u32 s7, $0x1;
	s6 =	sor.u32 s8, s6;
	s8 =	sadd.s32 $0x200, s2  }
0xb: {  	v2 =	vand.u32 $0x7, v1;
	v3 =	vshrl.u32 v1, $0x3;
	v1 =	vor.u32 $0x8, v1;
	s12 =	ssub.s32 s7, s9;
	s7 =	sadd.s32 $0x100, s2;
	s10 =	sor.u32 $0x7E00, s6  }
0xc: {  	v2 =	vperm.xlane v0, v2;
	v3 =	vmul.u32 $0x8, v3;
	v4 =	vperm.xlane v0, v1;
	s9 =	sadd.s32 $0x300, s2;
	s13 =	sor.u32 $0x200, s6;
	s11 =	sshll.u32 s10, $0x7  }
0xd: {  	s10 =	sand.u32 $0xFF0, s10;
	s12 =	smax.u32 s12, $0x1;
	[dreg:$0x4] =	wrdreg s13  }
0xe: {  	vm0 =	vmmov $0xffff;
	v1 =	vadd.s32 v3, v2;
	v2 =	vadd.s32 v3, v4;
	s13 =	sor.u32 s0, s14;
	s14 =	simm.s32 $0x5;
	s11 =	sadd.s32 s3, s11  }
.LBB2_1:
0xf: {  	s0 =	rddreg [dreg:$0x0]  }
0x10: {  	[tilespmem:s5], [sflag:$0x5] =	stream.linear.gather [hbm4b:s0+s5], $0x8, $0x38;
	[tilespmem:$0xC180] =	vst v63  }
0x11: {  	_ =	swait.ge [sflag:s14], $0x8  }
0x12: {  	[sflag:s14] =	ssyncset.done $0x0  }
0x13: {  	[sflag:s14] =	ssyncadd.s32 $0xFFFFFFF8  }
0x14: {  	s31 =	simm.s32 $0x8180;
	[tilespmem:$0x80] =	vst v0  }
0x15: {  	[tilespmem:s31], [sflag:$0x1] =	stream.indirect_vreg.gather [hbm4b:s2+s5], $0x80, v1, vm0, $0xb8;
	[tilespmem:$0xC180] =	vst v63  }
0x16: {  	_ = 	snop  }
0x17: {  	[tilespmem:s16], [sflag:$0x1] =	stream.indirect_vreg.gather [hbm4b:s7+s5], $0x80, v1, vm0, $0xb8;
	[tilespmem:$0xC180] =	vst v63  }
0x18: {  	_ = 	snop  }
0x19: {  	[tilespmem:s17], [sflag:$0x1] =	stream.indirect_vreg.gather [hbm4b:s8+s5], $0x80, v1, vm0, $0xb8;
	[tilespmem:$0xC180] =	vst v63  }
0x1a: {  	_ = 	snop  }
0x1b: {  	[tilespmem:s18], [sflag:$0x1] =	stream.indirect_vreg.gather [hbm4b:s9+s5], $0x80, v1, vm0, $0xb8;
	[tilespmem:$0xC180] =	vst v63  }
0x1c: {  	_ = 	snop  }
0x1d: {  	[tilespmem:s19], [sflag:$0x1] =	stream.indirect_vreg.gather [hbm4b:s2+s5], $0x80, v2, vm0, $0xb8;
	[tilespmem:$0xC180] =	vst v63  }
0x1e: {  	_ = 	snop  }
0x1f: {  	[tilespmem:s20], [sflag:$0x1] =	stream.indirect_vreg.gather [hbm4b:s7+s5], $0x80, v2, vm0, $0xb8;
	[tilespmem:$0xC180] =	vst v63  }
0x20: {  	_ = 	snop  }
0x21: {  	[tilespmem:s21], [sflag:$0x1] =	stream.indirect_vreg.gather [hbm4b:s8+s5], $0x80, v2, vm0, $0xb8;
	[tilespmem:$0xC180] =	vst v63  }
0x22: {  	_ = 	snop  }
0x23: {  	[tilespmem:s22], [sflag:$0x1] =	stream.indirect_vreg.gather [hbm4b:s9+s5], $0x80, v2, vm0, $0xb8;
	[tilespmem:$0xC180] =	vst v63  }
0x24: {  	_ =	swait.ge [sflag:s23], $0x4000  }
0x25: {  	s28 =	simm.s32 $0x0;
	[sflag:s23] =	ssyncset.done $0x0  }
0x26: {  	s29 =	smov.u32 s13;
	s30 =	simm.s32 $0x0;
	[sflag:s23] =	ssyncadd.s32 $0xFFFFC000  }
.LBB2_2:
0x27: {  	p0 =	seq.s32 s28, $0x0  }
0x28: {  	s0 =	simm.s32 @!p0 $0x3  }
0x29: {  	_ =	swait.ge @!p0 [sflag:s0], $0x4000  }
0x2a: {  	[sflag:s0] =	ssyncset.done @!p0 $0x0  }
0x2b: {  	s31 =	sshrl.u32 s30, $0x2;
	[sflag:s0] =	ssyncadd.s32 @!p0 $0xFFFFC000  }
0x2c: {  	v3 =	vld [tilespmem:s31+$0x0];
	_ =	sdelay $0x4  }
0x2d: {  	(v2sf) =	vpush v3, $0x0;
	_ =	sdelay $0xd  }
0x2e: {  	s1 =	sadd.s32 s28, s6  }
0x2f: {  	s0 =	sand.u32 $0xDF0, s1;
	s4 =	spop (v2sf)  }
0x30: {  	s4 =	ssub.s32 s4, s0  }
0x31: {  	p1 =	slt.s32 s4, $0x1  }
0x32: {  	s4 =	smin.u32 @!p1 s4, $0x10  }
0x33: {  	v4 =	vlaneseq.u32 @!p1;
	v3 =	vmov @!p1 s4;
	s4 =	sor.u32 @!p1 $0x1, s0  }
0x34: {  	vm1 =	vgt.u32 @!p1 v3, v4;
	v3 =	vadd.s32 @!p1 s4, v4  }
0x35: {  	v3 =	vnsel @!p1 vm1, $0x0, v3  }
0x36: {  	v5 =	vshll.u32 @!p1 v3, $0x3  }
0x37: {  	v6 =	vand.u32 @!p1 $0x7, v3;
	v5 =	vand.u32 @!p1 $0x7FFFFFC0, v5  }
0x38: {  	v7 =	vshrl.u32 @!p1 v4, $0x3;
	v5 =	vor.u32 @!p1 v6, v5;
	v6 =	vand.u32 @!p1 $0x7, v4  }
0x39: {  	v7 =	vmul.u32 @!p1 $0x8, v7;
	v6 =	vperm.xlane @!p1 v5, v6;
	_ =	sdelay $0x1  }
0x3a: {  	v6 =	vadd.s32 @!p1 v7, v6;
	_ =	sdelay $0x3  }
0x3b: {  	s1 =	simm.s32 @!p1 $0x180;
	s4 =	simm.s32 @!p1 $0x0;
	vm1 =	vmmov @!p1 $0xffff;
	[tilespmem:$0x80] =	vst @!p1 v3  }
0x3c: {  	v3 =	vor.u32 @!p1 $0x8, v4;
	[tilespmem:s1], [sflag:$0x1] =	stream.indirect_vreg.gather @!p1 [hbm4b:s2+s4], $0x80, v6, vm1, $0xb8;
	[tilespmem:$0xC180] =	vst v63  }
0x3d: {  	v3 =	vperm.xlane @!p1 v5, v3;
	s1 =	simm.s32 @!p1 $0x980  }
0x3e: {  	[tilespmem:s1], [sflag:$0x1] =	stream.indirect_vreg.gather @!p1 [hbm4b:s7+s4], $0x80, v6, vm1, $0xb8;
	[tilespmem:$0xC180] =	vst v63  }
0x3f: {  	v3 =	vadd.s32 @!p1 v7, v3;
	s1 =	simm.s32 @!p1 $0x1180  }
0x40: {  	[tilespmem:s1], [sflag:$0x1] =	stream.indirect_vreg.gather @!p1 [hbm4b:s8+s4], $0x80, v6, vm1, $0xb8;
	[tilespmem:$0xC180] =	vst v63  }
0x41: {  	s1 =	simm.s32 @!p1 $0x1980  }
0x42: {  	[tilespmem:s1], [sflag:$0x1] =	stream.indirect_vreg.gather @!p1 [hbm4b:s9+s4], $0x80, v6, vm1, $0xb8;
	[tilespmem:$0xC180] =	vst v63  }
0x43: {  	s1 =	simm.s32 @!p1 $0x2180  }
0x44: {  	[tilespmem:s1], [sflag:$0x1] =	stream.indirect_vreg.gather @!p1 [hbm4b:s2+s4], $0x80, v3, vm1, $0xb8;
	[tilespmem:$0xC180] =	vst v63  }
0x45: {  	s1 =	simm.s32 @!p1 $0x2980  }
0x46: {  	[tilespmem:s1], [sflag:$0x1] =	stream.indirect_vreg.gather @!p1 [hbm4b:s7+s4], $0x80, v3, vm1, $0xb8;
	[tilespmem:$0xC180] =	vst v63  }
0x47: {  	s1 =	simm.s32 @!p1 $0x3180  }
0x48: {  	[tilespmem:s1], [sflag:$0x1] =	stream.indirect_vreg.gather @!p1 [hbm4b:s8+s4], $0x80, v3, vm1, $0xb8;
	[tilespmem:$0xC180] =	vst v63  }
0x49: {  	s1 =	simm.s32 @!p1 $0x3980  }
0x4a: {  	[tilespmem:s1], [sflag:$0x1] =	stream.indirect_vreg.gather @!p1 [hbm4b:s9+s4], $0x80, v3, vm1, $0xb8;
	[tilespmem:$0xC180] =	vst v63  }
0x4b: {  	s1 =	sadd.s32 @!p0 s28, s6  }
0x4c: {  	s1 =	sadd.s32 @!p0 $0xFFFFFE00, s1  }
0x4d: {  	s4 =	sshra.s32 @!p0 s1, $0xC  }
0x4e: {  	v3 =	vld @!p0 [tilespmem:s4+$0x0];
	_ =	sdelay $0x4  }
0x4f: {  	(v2sf) =	vpush @!p0 v3, $0x0;
	_ =	sdelay $0xe  }
0x50: {  	s1 =	sand.u32 @!p0 $0xFF0, s1;
	s4 =	spop @!p0 (v2sf)  }
0x51: {  	s1 =	ssub.s32 @!p0 s4, s1  }
0x52: {  	p1 =	slt.s32 @!p0 s1, $0x1  }
0x53: {  	p2 =	por p1, p0  }
0x54: {  	s1 =	simm.s32 @!p2 $0x2  }
0x55: {  	_ =	swait.ge @!p2 [sflag:s1], $0x4000  }
0x56: {  	s15 =	sadd.s32 @!p0 $0xFFFF0000, s29;
	s4 =	simm.s32 @!p0 $0x8180;
	[sflag:s1] =	ssyncset.done @!p2 $0x0  }
0x57: {  	p1 =	por !p1, p0;
	[sflag:s1] =	ssyncadd.s32 @!p2 $0xFFFFC000;
	s1 =	sand.u32 @!p0 $0x1FFFF800, s15  }
0x58: {  	s4 =	simm.s32 @p1 $0x4180;
	s15 =	simm.s32 @!p0 $0x0;
	s1 =	sadd.s32 @!p0 s3, s1  }
0x59: {  	[hbm4b:s1+s15] =	stream.linear.scatter @!p0 [tilespmem:s4], [sflag:$0x4], $0x4000, $0x38;
	[tilespmem:$0xC180] =	vst v63  }
0x5a: {  	s1 =	simm.s32 @!p0 $0x4  }
0x5b: {  	_ =	swait.ge @!p0 [sflag:s1], $0x4000  }
0x5c: {  	[sflag:s1] =	ssyncset.done @!p0 $0x0  }
0x5d: {  	[sflag:s1] =	ssyncadd.s32 @!p0 $0xFFFFC000  }
0x5e: {  	v3 =	vld [tilespmem:s31+$0x0];
	_ =	sdelay $0x4  }
0x5f: {  	(v2sf) =	vpush v3, $0x0;
	_ =	sdelay $0xd  }
0x60: {  	s15 =	sand.u32 $0xC00, s28;
	s4 =	rddreg [dreg:$0x4]  }
0x61: {  	s1 =	sor.u32 s4, s15;
	s15 =	spop (v2sf)  }
0x62: {  	s4 =	ssub.s32 s15, s1  }
0x63: {  	p0 =	slt.s32 s4, $0x1  }
0x64: {  	s4 =	smin.u32 @!p0 s4, $0x10  }
0x65: {  	v4 =	vlaneseq.u32 @!p0;
	s1 =	sor.u32 @!p0 $0x1, s1;
	v3 =	vmov @!p0 s4  }
0x66: {  	vm1 =	vgt.u32 @!p0 v3, v4;
	v3 =	vadd.s32 @!p0 s1, v4  }
0x67: {  	v3 =	vnsel @!p0 vm1, $0x0, v3  }
0x68: {  	v5 =	vshll.u32 @!p0 v3, $0x3  }
0x69: {  	v6 =	vand.u32 @!p0 $0x7, v3;
	v5 =	vand.u32 @!p0 $0x7FFFFFC0, v5  }
0x6a: {  	v7 =	vshrl.u32 @!p0 v4, $0x3;
	v5 =	vor.u32 @!p0 v6, v5;
	v6 =	vand.u32 @!p0 $0x7, v4  }
0x6b: {  	v7 =	vmul.u32 @!p0 $0x8, v7;
	v6 =	vperm.xlane @!p0 v5, v6;
	_ =	sdelay $0x1  }
0x6c: {  	v6 =	vadd.s32 @!p0 v7, v6;
	_ =	sdelay $0x3  }
0x6d: {  	s4 =	simm.s32 @!p0 $0x4180;
	s1 =	simm.s32 @!p0 $0x0;
	vm1 =	vmmov @!p0 $0xffff;
	[tilespmem:$0x100] =	vst @!p0 v3  }
0x6e: {  	v3 =	vor.u32 @!p0 $0x8, v4;
	[tilespmem:s4], [sflag:$0x2] =	stream.indirect_vreg.gather @!p0 [hbm4b:s2+s1], $0x80, v6, vm1, $0xb8;
	[tilespmem:$0xC180] =	vst v63  }
0x6f: {  	v3 =	vperm.xlane @!p0 v5, v3;
	s4 =	simm.s32 @!p0 $0x4980  }
0x70: {  	[tilespmem:s4], [sflag:$0x2] =	stream.indirect_vreg.gather @!p0 [hbm4b:s7+s1], $0x80, v6, vm1, $0xb8;
	[tilespmem:$0xC180] =	vst v63  }
0x71: {  	v3 =	vadd.s32 @!p0 v7, v3;
	s4 =	simm.s32 @!p0 $0x5180  }
0x72: {  	[tilespmem:s4], [sflag:$0x2] =	stream.indirect_vreg.gather @!p0 [hbm4b:s8+s1], $0x80, v6, vm1, $0xb8;
	[tilespmem:$0xC180] =	vst v63  }
0x73: {  	s4 =	simm.s32 @!p0 $0x5980  }
0x74: {  	[tilespmem:s4], [sflag:$0x2] =	stream.indirect_vreg.gather @!p0 [hbm4b:s9+s1], $0x80, v6, vm1, $0xb8;
	[tilespmem:$0xC180] =	vst v63  }
0x75: {  	s4 =	simm.s32 @!p0 $0x6180  }
0x76: {  	[tilespmem:s4], [sflag:$0x2] =	stream.indirect_vreg.gather @!p0 [hbm4b:s2+s1], $0x80, v3, vm1, $0xb8;
	[tilespmem:$0xC180] =	vst v63  }
0x77: {  	s4 =	simm.s32 @!p0 $0x6980  }
0x78: {  	[tilespmem:s4], [sflag:$0x2] =	stream.indirect_vreg.gather @!p0 [hbm4b:s7+s1], $0x80, v3, vm1, $0xb8;
	[tilespmem:$0xC180] =	vst v63  }
0x79: {  	s4 =	simm.s32 @!p0 $0x7180  }
0x7a: {  	[tilespmem:s4], [sflag:$0x2] =	stream.indirect_vreg.gather @!p0 [hbm4b:s8+s1], $0x80, v3, vm1, $0xb8;
	[tilespmem:$0xC180] =	vst v63  }
0x7b: {  	s4 =	simm.s32 @!p0 $0x7980  }
0x7c: {  	[tilespmem:s4], [sflag:$0x2] =	stream.indirect_vreg.gather @!p0 [hbm4b:s9+s1], $0x80, v3, vm1, $0xb8;
	[tilespmem:$0xC180] =	vst v63  }
0x7d: {  	v3 =	vld [tilespmem:s31+$0x0];
	_ =	sdelay $0x4  }
0x7e: {  	(v2sf) =	vpush v3, $0x0;
	_ =	sdelay $0xe  }
0x7f: {  	s15 =	spop (v2sf)  }
0x80: {  	s0 =	ssub.s32 s15, s0  }
0x81: {  	p0 =	slt.s32 s0, $0x1  }
0x82: {  	s0 =	simm.s32 @!p0 $0x1  }
0x83: {  	_ =	swait.ge @!p0 [sflag:s0], $0x4000  }
0x84: {  	s28 =	sadd.s32 $0x400, s28;
	s1 =	simm.s32 @!p0 $0x180;
	[sflag:s0] =	ssyncset.done @!p0 $0x0  }
0x85: {  	s1 =	simm.s32 @p0 $0x8180;
	[sflag:s0] =	ssyncadd.s32 @!p0 $0xFFFFC000;
	p0 =	sne.s32 s28, $0x8000  }
.Ltmp0:
0x86: {  	_ = 	snop;
	(pc) =	sbr.rel @p0 .LBB2_2-.Ltmp0, $3  }
0x87: {  	_ =	sdelay $0x1  }
0x88: {  	s30 =	sadd.s32 $0x1, s30;
	s31 =	sadd.s32 s29, s3;
	s29 =	sadd.s32 $0x20000, s29  }
0x89: {  	[hbm4b:s31+s5] =	stream.linear.scatter [tilespmem:s1], [sflag:$0x3], $0x4000, $0x38;
	[tilespmem:$0xC180] =	vst v63  }
0x8a: {  	v3 =	vld [tilespmem:$0x7];
	_ =	sdelay $0x4  }
0x8b: {  	(v2sf) =	vpush v3, $0x0;
	_ =	sdelay $0xe  }
0x8c: {  	s0 =	spop (v2sf)  }
0x8d: {  	s0 =	ssub.s32 s0, s10  }
0x8e: {  	p0 =	slt.s32 s0, $0x1  }
0x8f: {  	s0 =	simm.s32 @!p0 $0x2  }
0x90: {  	_ =	swait.ge @!p0 [sflag:s0], $0x4000  }
0x91: {  	s1 =	simm.s32 @!p0 $0x4180;
	[sflag:s0] =	ssyncset.done @!p0 $0x0  }
0x92: {  	s26 =	sadd.s32 $0x1, s26;
	s1 =	simm.s32 @p0 $0x8180;
	[sflag:s0] =	ssyncadd.s32 @!p0 $0xFFFFC000  }
0x93: {  	[hbm4b:s11+s5] =	stream.linear.scatter [tilespmem:s1], [sflag:$0x4], $0x4000, $0x38;
	[tilespmem:$0xC180] =	vst v63  }
0x94: {  	p0 =	sne.s32 s26, s12;
	_ =	swait.ge [sflag:s24], $0x4000  }
.Ltmp1:
0x95: {  	[sflag:s24] =	ssyncset.done $0x0;
	(pc) =	sbr.rel @p0 .LBB2_1-.Ltmp1, $4  }
0x96: {  	[sflag:s24] =	ssyncadd.s32 $0xFFFFC000  }
0x97: {  	_ =	swait.ge [sflag:s25], $0x4000  }
0x98: {  	[sflag:s25] =	ssyncset.done $0x0  }
0x99: {  	[sflag:s25] =	ssyncadd.s32 $0xFFFFC000  }
0x9a: {  	_ =	sfence.sel $0x180000  }
0x9b: {  	[bflag:$0x0] =	sbarrier.arrive $0xFFFF  }
0x9c: {  	_ =	strace $0x90000047  }
0x9d: {  	s0 =	stileid.u32;
	[bflag:$0x2] =	sbarrier.arrive $0xFFFF  }
0x9e: {  	p0 =	sne.s32 s0, $0x0;
	s0 =	rddreg [dreg:$0x3]  }
0x9f: {  	s0 =	sadd.s32 @!p0 $0x100000, s0  }
0xa0: {  	[sflag:s0] =	ssyncadd.tile.s32 @!p0 $0x1;
	_ =	shalt  }
.Lfunc_end2:
_tile_overlayer_lowered:
.L_overlay_start_2:
0xa1: {  	(tag) =	ssettag $0x2  }
0xa2: {  	s0 =	rddreg [dreg:$0x0];
	s2 =	stileid.u32  }
0xa3: {  	s1 =	rddreg [dreg:$0x1];
	p0 =	sne.s32 s2, $0x0  }
0xa4: {  	s3 =	rddreg [dreg:$0x2];
	[bflag:$0x3] =	sbarrier.arrive $0xFFFF;
	s2 =	simm.s32 @!p0 $0x1C05  }
0xa5: {  	[timem:s3], [sflag:s2] =	dma.local @!p0 [hbm:s0], s1  }
0xa6: {  	s0 =	simm.s32 @!p0 $0x5  }
0xa7: {  	_ =	swait.ge @!p0 [sflag:s0], s1  }
0xa8: {  	s1 =	ssub.s32 @!p0 $0x0, s1;
	[sflag:s0] =	ssyncset.done @!p0 $0x0  }
0xa9: {  	[sflag:s0] =	ssyncadd.s32 @!p0 s1  }
0xaa: {  	[bflag:$0x3] =	sbarrier.arrive $0xFFFF  }
0xab: {  	_ =	shalt  }

</sc_bundles>
